<compile_context>
chip_gen: v7x
topology: tpu7x:2x2x1
jax: 0.10.2.dev20260603
libtpu: 0.0.44.dev20260713+nightly
codegen_flags: <defaults>
</compile_context>

<pallas_src>
import functools

import jax
import jax.numpy as jnp
from jax import lax
from jax.experimental import pallas as pl
from jax.experimental.pallas import tpu as pltpu
from jax.experimental.pallas import tpu_sc as plsc

_BATCH = 16384
_FIELDS = 26
_DIM = 128

_NC = 2
_NS = 16
_NW = _NC * _NS
_C = 128
_B = _BATCH * _FIELDS
_BPW = _B // _NW
_NCHUNK = _BPW // _C


_NBUF = 4


def _sc_gather(idx_hbm, table_hbm, out_hbm, idx_v, *bufs_and_sems):
    bufs = bufs_and_sems[:_NBUF]
    gsems = bufs_and_sems[_NBUF:2 * _NBUF]
    osems = bufs_and_sems[2 * _NBUF:3 * _NBUF]

    wid = lax.axis_index("s") * _NC + lax.axis_index("c")
    base = wid * _BPW

    pltpu.sync_copy(idx_hbm.at[wid], idx_v)

    for b in range(_NBUF):
        pltpu.async_copy(table_hbm.at[idx_v.at[b]], bufs[b], gsems[b])

    @pl.loop(0, _NCHUNK, step=_NBUF)
    def _group(j0):
        for b in range(_NBUF):
            j = j0 + b
            buf = bufs[b]
            dst = out_hbm.at[pl.ds(base + j * _C, _C)]
            pltpu.make_async_copy(table_hbm.at[idx_v.at[j]], buf,
                                  gsems[b]).wait()
            pltpu.async_copy(buf, dst, osems[b])

            @pl.when(j < _NCHUNK - _NBUF)
            def _():
                pltpu.make_async_copy(buf, dst, osems[b]).wait()
                pltpu.async_copy(table_hbm.at[idx_v.at[j + _NBUF]], buf,
                                 gsems[b])

    for b in range(_NBUF):
        pltpu.make_async_copy(bufs[b], out_hbm.at[pl.ds(base, _C)],
                              osems[b]).wait()


_gather_call = functools.partial(
    pl.kernel,
    out_type=jax.ShapeDtypeStruct((_B, _DIM), jnp.float32),
    mesh=plsc.VectorSubcoreMesh(core_axis_name="c", subcore_axis_name="s",
                                num_cores=_NC, num_subcores=_NS),
    scratch_types=(
        [pltpu.VMEM((_NCHUNK, _C), jnp.int32)]
        + [pltpu.VMEM((_C, _DIM), jnp.float32)] * _NBUF
        + [pltpu.SemaphoreType.DMA] * (2 * _NBUF)
    ),
)(_sc_gather)


@jax.jit
def kernel(x, table):
    idx = x.reshape(_NW, _NCHUNK, _C).astype(jnp.int32)
    out = _gather_call(idx, table)
    return out.reshape(_BATCH, _FIELDS, _DIM)

# --- scband reference (transcript-rebuilt; emitter-appended) ---
"""Pipeline reference for scband-class-embedding-2808908611931 (READ-ONLY COPY).

The authoritative reference and input builder live on the scoring server;
editing this copy changes nothing except your own understanding.
"""

import jax, jax.numpy as jnp
import numpy as np

NUM_CLASSES = 100000
EMBED_DIM = 128
BATCH = 16384
FIELDS = 26

def setup_inputs(seed: int = 0) -> dict:
    key = jax.random.key(seed)
    k1, k2 = jax.random.split(key)
    x = jax.random.randint(k1, (BATCH, FIELDS), 0, NUM_CLASSES, dtype=jnp.int64 if jax.config.jax_enable_x64 else jnp.int32)
    table = jax.random.normal(k2, (NUM_CLASSES, EMBED_DIM), dtype=jnp.float32)
    return {"x": x, "table": table}

def reference(x, table):
    # nn.Embedding forward: gather rows of the table by index
    return jnp.take(table, x, axis=0)

if __name__ == "__main__":
    import jax
    _d = setup_inputs()
    print(jax.jit(kernel)(*tuple(_d.values())))

</pallas_src>

<mosaic_0001>
#map = affine_map<(d0, d1) -> (0, 0, 0)>
#map1 = affine_map<(d0, d1) -> (0, 0)>
module attributes {stable_mosaic.version = 14 : i64} {
  func.func @_sc_gather(%arg0: i32, %arg1: i32, %arg2: memref<32x104x128xi32, #tpu.memory_space<hbm>>, %arg3: memref<100000x128xf32, #tpu.memory_space<hbm>>, %arg4: memref<425984x128xf32, #tpu.memory_space<hbm>>, %arg5: memref<104x128xi32, #tpu.memory_space<vmem>>, %arg6: memref<128x128xf32, #tpu.memory_space<vmem>>, %arg7: memref<128x128xf32, #tpu.memory_space<vmem>>, %arg8: memref<128x128xf32, #tpu.memory_space<vmem>>, %arg9: memref<128x128xf32, #tpu.memory_space<vmem>>, %arg10: memref<!tpu.dma_semaphore, #tpu.memory_space<semaphore_mem>>, %arg11: memref<!tpu.dma_semaphore, #tpu.memory_space<semaphore_mem>>, %arg12: memref<!tpu.dma_semaphore, #tpu.memory_space<semaphore_mem>>, %arg13: memref<!tpu.dma_semaphore, #tpu.memory_space<semaphore_mem>>, %arg14: memref<!tpu.dma_semaphore, #tpu.memory_space<semaphore_mem>>, %arg15: memref<!tpu.dma_semaphore, #tpu.memory_space<semaphore_mem>>, %arg16: memref<!tpu.dma_semaphore, #tpu.memory_space<semaphore_mem>>, %arg17: memref<!tpu.dma_semaphore, #tpu.memory_space<semaphore_mem>>) attributes {dimension_semantics = [#tpu.dimension_semantics<core_parallel>, #tpu.dimension_semantics<subcore_parallel>], iteration_bounds = array<i64: 2, 16>, scalar_prefetch = 0 : i64, scratch_operands = 13 : i64, tpu.core_type = #tpu.core_type<sc_vector_subcore>, window_params = [{transform_indices = #map}, {transform_indices = #map1}, {transform_indices = #map1}]} {
    %mul3A = arith.constant 2 : i32
    %mul3A_0 = arith.muli %arg1, %mul3A : i32
    %add3A = arith.addi %mul3A_0, %arg0 : i32
    %mul3A_1 = arith.constant 13312 : i32
    %mul3A_2 = arith.muli %add3A, %mul3A_1 : i32
    "tpu.region"() ({
      %run_scoped3A = tpu.sem_alloc : memref<!tpu.dma_semaphore, #tpu.memory_space<semaphore_mem>>
      %dma_start3A_49 = arith.constant 0 : i32
      %dma_start3A_50 = arith.constant 0 : i32
      %dma_start3A_51 = tpu.memref_slice %arg2[%add3A, %dma_start3A_49, %dma_start3A_50] : memref<32x104x128xi32, #tpu.memory_space<hbm>> -> memref<1x104x128xi32, #tpu.memory_space<hbm>>
      %dma_start3A_52 = tpu.memref_squeeze %dma_start3A_51 : memref<1x104x128xi32, #tpu.memory_space<hbm>> -> memref<104x128xi32, #tpu.memory_space<hbm>>
      %dma_start3A_53 = arith.constant 0 : i32
      %dma_start3A_54 = arith.constant 0 : i32
      %dma_start3A_55 = tpu.memref_slice %arg2[%add3A, %dma_start3A_53, %dma_start3A_54] : memref<32x104x128xi32, #tpu.memory_space<hbm>> -> memref<1x104x128xi32, #tpu.memory_space<hbm>>
      %dma_start3A_56 = tpu.memref_squeeze %dma_start3A_55 : memref<1x104x128xi32, #tpu.memory_space<hbm>> -> memref<104x128xi32, #tpu.memory_space<hbm>>
      tpu.enqueue_dma source(%dma_start3A_56 : memref<104x128xi32, #tpu.memory_space<hbm>>) target(%arg5 : memref<104x128xi32, #tpu.memory_space<vmem>>) target_semaphore(%run_scoped3A : memref<!tpu.dma_semaphore, #tpu.memory_space<semaphore_mem>>)
      %dma_wait3A_57 = arith.constant 0 : i32
      %dma_wait3A_58 = arith.constant 0 : i32
      %dma_wait3A_59 = tpu.memref_slice %arg2[%add3A, %dma_wait3A_57, %dma_wait3A_58] : memref<32x104x128xi32, #tpu.memory_space<hbm>> -> memref<1x104x128xi32, #tpu.memory_space<hbm>>
      %dma_wait3A_60 = tpu.memref_squeeze %dma_wait3A_59 : memref<1x104x128xi32, #tpu.memory_space<hbm>> -> memref<104x128xi32, #tpu.memory_space<hbm>>
      %dma_wait3A_61 = arith.constant 0 : i32
      %dma_wait3A_62 = arith.constant 0 : i32
      %dma_wait3A_63 = tpu.memref_slice %arg2[%add3A, %dma_wait3A_61, %dma_wait3A_62] : memref<32x104x128xi32, #tpu.memory_space<hbm>> -> memref<1x104x128xi32, #tpu.memory_space<hbm>>
      %dma_wait3A_64 = tpu.memref_squeeze %dma_wait3A_63 : memref<1x104x128xi32, #tpu.memory_space<hbm>> -> memref<104x128xi32, #tpu.memory_space<hbm>>
      tpu.wait_dma2 semaphore(%run_scoped3A : memref<!tpu.dma_semaphore, #tpu.memory_space<semaphore_mem>>) src(%dma_wait3A_64 : memref<104x128xi32, #tpu.memory_space<hbm>>) dst(%arg5 : memref<104x128xi32, #tpu.memory_space<vmem>>)
      tpu.yield
    }) : () -> ()
    %dma_start3A = arith.constant 0 : i32
    %dma_start3A_3 = arith.constant 0 : i32
    %dma_start3A_4 = tpu.memref_slice %arg5[%dma_start3A, %dma_start3A_3] : memref<104x128xi32, #tpu.memory_space<vmem>> -> memref<1x128xi32, #tpu.memory_space<vmem>>
    %dma_start3A_5 = tpu.memref_squeeze %dma_start3A_4 : memref<1x128xi32, #tpu.memory_space<vmem>> -> memref<128xi32, #tpu.memory_space<vmem>>
    %dma_start3A_6 = arith.constant 0 : i32
    %dma_start3A_7 = arith.constant 0 : i32
    %dma_start3A_8 = tpu.memref_slice %arg3[%dma_start3A_6, %dma_start3A_7] : memref<100000x128xf32, #tpu.memory_space<hbm>> -> memref<100000x128xf32, #tpu.memory_space<hbm>>
    tpu.enqueue_indirect_dma source(%dma_start3A_8 : memref<100000x128xf32, #tpu.memory_space<hbm>>) target(%arg6 : memref<128x128xf32, #tpu.memory_space<vmem>>) offsets(%dma_start3A_5 : memref<128xi32, #tpu.memory_space<vmem>>) semaphore(%arg10 : memref<!tpu.dma_semaphore, #tpu.memory_space<semaphore_mem>>)
    %dma_start3A_9 = arith.constant 1 : i32
    %dma_start3A_10 = arith.constant 0 : i32
    %dma_start3A_11 = tpu.memref_slice %arg5[%dma_start3A_9, %dma_start3A_10] : memref<104x128xi32, #tpu.memory_space<vmem>> -> memref<1x128xi32, #tpu.memory_space<vmem>>
    %dma_start3A_12 = tpu.memref_squeeze %dma_start3A_11 : memref<1x128xi32, #tpu.memory_space<vmem>> -> memref<128xi32, #tpu.memory_space<vmem>>
    %dma_start3A_13 = arith.constant 0 : i32
    %dma_start3A_14 = arith.constant 0 : i32
    %dma_start3A_15 = tpu.memref_slice %arg3[%dma_start3A_13, %dma_start3A_14] : memref<100000x128xf32, #tpu.memory_space<hbm>> -> memref<100000x128xf32, #tpu.memory_space<hbm>>
    tpu.enqueue_indirect_dma source(%dma_start3A_15 : memref<100000x128xf32, #tpu.memory_space<hbm>>) target(%arg7 : memref<128x128xf32, #tpu.memory_space<vmem>>) offsets(%dma_start3A_12 : memref<128xi32, #tpu.memory_space<vmem>>) semaphore(%arg11 : memref<!tpu.dma_semaphore, #tpu.memory_space<semaphore_mem>>)
    %dma_start3A_16 = arith.constant 2 : i32
    %dma_start3A_17 = arith.constant 0 : i32
    %dma_start3A_18 = tpu.memref_slice %arg5[%dma_start3A_16, %dma_start3A_17] : memref<104x128xi32, #tpu.memory_space<vmem>> -> memref<1x128xi32, #tpu.memory_space<vmem>>
    %dma_start3A_19 = tpu.memref_squeeze %dma_start3A_18 : memref<1x128xi32, #tpu.memory_space<vmem>> -> memref<128xi32, #tpu.memory_space<vmem>>
    %dma_start3A_20 = arith.constant 0 : i32
    %dma_start3A_21 = arith.constant 0 : i32
    %dma_start3A_22 = tpu.memref_slice %arg3[%dma_start3A_20, %dma_start3A_21] : memref<100000x128xf32, #tpu.memory_space<hbm>> -> memref<100000x128xf32, #tpu.memory_space<hbm>>
    tpu.enqueue_indirect_dma source(%dma_start3A_22 : memref<100000x128xf32, #tpu.memory_space<hbm>>) target(%arg8 : memref<128x128xf32, #tpu.memory_space<vmem>>) offsets(%dma_start3A_19 : memref<128xi32, #tpu.memory_space<vmem>>) semaphore(%arg12 : memref<!tpu.dma_semaphore, #tpu.memory_space<semaphore_mem>>)
    %dma_start3A_23 = arith.constant 3 : i32
    %dma_start3A_24 = arith.constant 0 : i32
    %dma_start3A_25 = tpu.memref_slice %arg5[%dma_start3A_23, %dma_start3A_24] : memref<104x128xi32, #tpu.memory_space<vmem>> -> memref<1x128xi32, #tpu.memory_space<vmem>>
    %dma_start3A_26 = tpu.memref_squeeze %dma_start3A_25 : memref<1x128xi32, #tpu.memory_space<vmem>> -> memref<128xi32, #tpu.memory_space<vmem>>
    %dma_start3A_27 = arith.constant 0 : i32
    %dma_start3A_28 = arith.constant 0 : i32
    %dma_start3A_29 = tpu.memref_slice %arg3[%dma_start3A_27, %dma_start3A_28] : memref<100000x128xf32, #tpu.memory_space<hbm>> -> memref<100000x128xf32, #tpu.memory_space<hbm>>
    tpu.enqueue_indirect_dma source(%dma_start3A_29 : memref<100000x128xf32, #tpu.memory_space<hbm>>) target(%arg9 : memref<128x128xf32, #tpu.memory_space<vmem>>) offsets(%dma_start3A_26 : memref<128xi32, #tpu.memory_space<vmem>>) semaphore(%arg13 : memref<!tpu.dma_semaphore, #tpu.memory_space<semaphore_mem>>)
    %scan3A = arith.constant 0 : i32
    %scan3A_30 = arith.constant 26 : i32
    %scan3A_31 = arith.addi %scan3A, %scan3A_30 : i32
    %scan3A_32 = arith.constant 1 : i32
    scf.for %scan3A_49 = %scan3A to %scan3A_31 step %scan3A_32  : i32 {
      %mul3A_50 = arith.constant 4 : i32
      %mul3A_51 = arith.muli %scan3A_49, %mul3A_50 : i32
      %add3A_52 = arith.constant 0 : i32
      %add3A_53 = arith.addi %add3A_52, %mul3A_51 : i32
      %add3A_54 = arith.constant 0 : i32
      %add3A_55 = arith.addi %add3A_53, %add3A_54 : i32
      %mul3A_56 = arith.constant 128 : i32
      %mul3A_57 = arith.muli %add3A_55, %mul3A_56 : i32
      %add3A_58 = arith.addi %mul3A_2, %mul3A_57 : i32
      %dma_wait3A_59 = arith.constant 0 : i32
      %dma_wait3A_60 = tpu.memref_slice %arg5[%add3A_55, %dma_wait3A_59] : memref<104x128xi32, #tpu.memory_space<vmem>> -> memref<1x128xi32, #tpu.memory_space<vmem>>
      %dma_wait3A_61 = tpu.memref_squeeze %dma_wait3A_60 : memref<1x128xi32, #tpu.memory_space<vmem>> -> memref<128xi32, #tpu.memory_space<vmem>>
      %dma_wait3A_62 = arith.constant 0 : i32
      %dma_wait3A_63 = arith.constant 0 : i32
      %dma_wait3A_64 = tpu.memref_slice %arg3[%dma_wait3A_62, %dma_wait3A_63] : memref<100000x128xf32, #tpu.memory_space<hbm>> -> memref<100000x128xf32, #tpu.memory_space<hbm>>
      tpu.wait_indirect_dma semaphore(%arg10 : memref<!tpu.dma_semaphore, #tpu.memory_space<semaphore_mem>>) src(%dma_wait3A_64 : memref<100000x128xf32, #tpu.memory_space<hbm>>) dst(%arg6 : memref<128x128xf32, #tpu.memory_space<vmem>>)
      %dma_start3A_65 = arith.constant 0 : i32
      %dma_start3A_66 = tpu.memref_slice %arg4[%add3A_58, %dma_start3A_65] : memref<425984x128xf32, #tpu.memory_space<hbm>> -> memref<128x128xf32, #tpu.memory_space<hbm>>
      %dma_start3A_67 = arith.constant 0 : i32
      %dma_start3A_68 = tpu.memref_slice %arg4[%add3A_58, %dma_start3A_67] : memref<425984x128xf32, #tpu.memory_space<hbm>> -> memref<128x128xf32, #tpu.memory_space<hbm>>
      tpu.enqueue_dma source(%arg6 : memref<128x128xf32, #tpu.memory_space<vmem>>) target(%dma_start3A_68 : memref<128x128xf32, #tpu.memory_space<hbm>>) target_semaphore(%arg14 : memref<!tpu.dma_semaphore, #tpu.memory_space<semaphore_mem>>)
      %lt3A = arith.constant 100 : i32
      %lt3A_69 = arith.cmpi slt, %add3A_55, %lt3A : i32
      %convert_element_type3A = arith.extui %lt3A_69 : i1 to i32
      %cond3A = arith.constant 0 : i32
      %cond3A_70 = arith.cmpi ne, %convert_element_type3A, %cond3A : i32
      scf.if %cond3A_70 {
        %dma_wait3A_131 = arith.constant 0 : i32
        %dma_wait3A_132 = tpu.memref_slice %arg4[%add3A_58, %dma_wait3A_131] : memref<425984x128xf32, #tpu.memory_space<hbm>> -> memref<128x128xf32, #tpu.memory_space<hbm>>
        %dma_wait3A_133 = arith.constant 0 : i32
        %dma_wait3A_134 = tpu.memref_slice %arg4[%add3A_58, %dma_wait3A_133] : memref<425984x128xf32, #tpu.memory_space<hbm>> -> memref<128x128xf32, #tpu.memory_space<hbm>>
        tpu.wait_dma2 semaphore(%arg14 : memref<!tpu.dma_semaphore, #tpu.memory_space<semaphore_mem>>) src(%arg6 : memref<128x128xf32, #tpu.memory_space<vmem>>) dst(%dma_wait3A_134 : memref<128x128xf32, #tpu.memory_space<hbm>>)
        %add3A_135 = arith.constant 4 : i32
        %add3A_136 = arith.addi %add3A_55, %add3A_135 : i32
        %dma_start3A_137 = arith.constant 0 : i32
        %dma_start3A_138 = tpu.memref_slice %arg5[%add3A_136, %dma_start3A_137] : memref<104x128xi32, #tpu.memory_space<vmem>> -> memref<1x128xi32, #tpu.memory_space<vmem>>
        %dma_start3A_139 = tpu.memref_squeeze %dma_start3A_138 : memref<1x128xi32, #tpu.memory_space<vmem>> -> memref<128xi32, #tpu.memory_space<vmem>>
        %dma_start3A_140 = arith.constant 0 : i32
        %dma_start3A_141 = arith.constant 0 : i32
        %dma_start3A_142 = tpu.memref_slice %arg3[%dma_start3A_140, %dma_start3A_141] : memref<100000x128xf32, #tpu.memory_space<hbm>> -> memref<100000x128xf32, #tpu.memory_space<hbm>>
        tpu.enqueue_indirect_dma source(%dma_start3A_142 : memref<100000x128xf32, #tpu.memory_space<hbm>>) target(%arg6 : memref<128x128xf32, #tpu.memory_space<vmem>>) offsets(%dma_start3A_139 : memref<128xi32, #tpu.memory_space<vmem>>) semaphore(%arg10 : memref<!tpu.dma_semaphore, #tpu.memory_space<semaphore_mem>>)
      } else {
      }
      %add3A_71 = arith.constant 1 : i32
      %add3A_72 = arith.addi %add3A_53, %add3A_71 : i32
      %mul3A_73 = arith.constant 128 : i32
      %mul3A_74 = arith.muli %add3A_72, %mul3A_73 : i32
      %add3A_75 = arith.addi %mul3A_2, %mul3A_74 : i32
      %dma_wait3A_76 = arith.constant 0 : i32
      %dma_wait3A_77 = tpu.memref_slice %arg5[%add3A_72, %dma_wait3A_76] : memref<104x128xi32, #tpu.memory_space<vmem>> -> memref<1x128xi32, #tpu.memory_space<vmem>>
      %dma_wait3A_78 = tpu.memref_squeeze %dma_wait3A_77 : memref<1x128xi32, #tpu.memory_space<vmem>> -> memref<128xi32, #tpu.memory_space<vmem>>
      %dma_wait3A_79 = arith.constant 0 : i32
      %dma_wait3A_80 = arith.constant 0 : i32
      %dma_wait3A_81 = tpu.memref_slice %arg3[%dma_wait3A_79, %dma_wait3A_80] : memref<100000x128xf32, #tpu.memory_space<hbm>> -> memref<100000x128xf32, #tpu.memory_space<hbm>>
      tpu.wait_indirect_dma semaphore(%arg11 : memref<!tpu.dma_semaphore, #tpu.memory_space<semaphore_mem>>) src(%dma_wait3A_81 : memref<100000x128xf32, #tpu.memory_space<hbm>>) dst(%arg7 : memref<128x128xf32, #tpu.memory_space<vmem>>)
      %dma_start3A_82 = arith.constant 0 : i32
      %dma_start3A_83 = tpu.memref_slice %arg4[%add3A_75, %dma_start3A_82] : memref<425984x128xf32, #tpu.memory_space<hbm>> -> memref<128x128xf32, #tpu.memory_space<hbm>>
      %dma_start3A_84 = arith.constant 0 : i32
      %dma_start3A_85 = tpu.memref_slice %arg4[%add3A_75, %dma_start3A_84] : memref<425984x128xf32, #tpu.memory_space<hbm>> -> memref<128x128xf32, #tpu.memory_space<hbm>>
      tpu.enqueue_dma source(%arg7 : memref<128x128xf32, #tpu.memory_space<vmem>>) target(%dma_start3A_85 : memref<128x128xf32, #tpu.memory_space<hbm>>) target_semaphore(%arg15 : memref<!tpu.dma_semaphore, #tpu.memory_space<semaphore_mem>>)
      %lt3A_86 = arith.constant 100 : i32
      %lt3A_87 = arith.cmpi slt, %add3A_72, %lt3A_86 : i32
      %convert_element_type3A_88 = arith.extui %lt3A_87 : i1 to i32
      %cond3A_89 = arith.constant 0 : i32
      %cond3A_90 = arith.cmpi ne, %convert_element_type3A_88, %cond3A_89 : i32
      scf.if %cond3A_90 {
        %dma_wait3A_131 = arith.constant 0 : i32
        %dma_wait3A_132 = tpu.memref_slice %arg4[%add3A_75, %dma_wait3A_131] : memref<425984x128xf32, #tpu.memory_space<hbm>> -> memref<128x128xf32, #tpu.memory_space<hbm>>
        %dma_wait3A_133 = arith.constant 0 : i32
        %dma_wait3A_134 = tpu.memref_slice %arg4[%add3A_75, %dma_wait3A_133] : memref<425984x128xf32, #tpu.memory_space<hbm>> -> memref<128x128xf32, #tpu.memory_space<hbm>>
        tpu.wait_dma2 semaphore(%arg15 : memref<!tpu.dma_semaphore, #tpu.memory_space<semaphore_mem>>) src(%arg7 : memref<128x128xf32, #tpu.memory_space<vmem>>) dst(%dma_wait3A_134 : memref<128x128xf32, #tpu.memory_space<hbm>>)
        %add3A_135 = arith.constant 4 : i32
        %add3A_136 = arith.addi %add3A_72, %add3A_135 : i32
        %dma_start3A_137 = arith.constant 0 : i32
        %dma_start3A_138 = tpu.memref_slice %arg5[%add3A_136, %dma_start3A_137] : memref<104x128xi32, #tpu.memory_space<vmem>> -> memref<1x128xi32, #tpu.memory_space<vmem>>
        %dma_start3A_139 = tpu.memref_squeeze %dma_start3A_138 : memref<1x128xi32, #tpu.memory_space<vmem>> -> memref<128xi32, #tpu.memory_space<vmem>>
        %dma_start3A_140 = arith.constant 0 : i32
        %dma_start3A_141 = arith.constant 0 : i32
        %dma_start3A_142 = tpu.memref_slice %arg3[%dma_start3A_140, %dma_start3A_141] : memref<100000x128xf32, #tpu.memory_space<hbm>> -> memref<100000x128xf32, #tpu.memory_space<hbm>>
        tpu.enqueue_indirect_dma source(%dma_start3A_142 : memref<100000x128xf32, #tpu.memory_space<hbm>>) target(%arg7 : memref<128x128xf32, #tpu.memory_space<vmem>>) offsets(%dma_start3A_139 : memref<128xi32, #tpu.memory_space<vmem>>) semaphore(%arg11 : memref<!tpu.dma_semaphore, #tpu.memory_space<semaphore_mem>>)
      } else {
      }
      %add3A_91 = arith.constant 2 : i32
      %add3A_92 = arith.addi %add3A_53, %add3A_91 : i32
      %mul3A_93 = arith.constant 128 : i32
      %mul3A_94 = arith.muli %add3A_92, %mul3A_93 : i32
      %add3A_95 = arith.addi %mul3A_2, %mul3A_94 : i32
      %dma_wait3A_96 = arith.constant 0 : i32
      %dma_wait3A_97 = tpu.memref_slice %arg5[%add3A_92, %dma_wait3A_96] : memref<104x128xi32, #tpu.memory_space<vmem>> -> memref<1x128xi32, #tpu.memory_space<vmem>>
      %dma_wait3A_98 = tpu.memref_squeeze %dma_wait3A_97 : memref<1x128xi32, #tpu.memory_space<vmem>> -> memref<128xi32, #tpu.memory_space<vmem>>
      %dma_wait3A_99 = arith.constant 0 : i32
      %dma_wait3A_100 = arith.constant 0 : i32
      %dma_wait3A_101 = tpu.memref_slice %arg3[%dma_wait3A_99, %dma_wait3A_100] : memref<100000x128xf32, #tpu.memory_space<hbm>> -> memref<100000x128xf32, #tpu.memory_space<hbm>>
      tpu.wait_indirect_dma semaphore(%arg12 : memref<!tpu.dma_semaphore, #tpu.memory_space<semaphore_mem>>) src(%dma_wait3A_101 : memref<100000x128xf32, #tpu.memory_space<hbm>>) dst(%arg8 : memref<128x128xf32, #tpu.memory_space<vmem>>)
      %dma_start3A_102 = arith.constant 0 : i32
      %dma_start3A_103 = tpu.memref_slice %arg4[%add3A_95, %dma_start3A_102] : memref<425984x128xf32, #tpu.memory_space<hbm>> -> memref<128x128xf32, #tpu.memory_space<hbm>>
      %dma_start3A_104 = arith.constant 0 : i32
      %dma_start3A_105 = tpu.memref_slice %arg4[%add3A_95, %dma_start3A_104] : memref<425984x128xf32, #tpu.memory_space<hbm>> -> memref<128x128xf32, #tpu.memory_space<hbm>>
      tpu.enqueue_dma source(%arg8 : memref<128x128xf32, #tpu.memory_space<vmem>>) target(%dma_start3A_105 : memref<128x128xf32, #tpu.memory_space<hbm>>) target_semaphore(%arg16 : memref<!tpu.dma_semaphore, #tpu.memory_space<semaphore_mem>>)
      %lt3A_106 = arith.constant 100 : i32
      %lt3A_107 = arith.cmpi slt, %add3A_92, %lt3A_106 : i32
      %convert_element_type3A_108 = arith.extui %lt3A_107 : i1 to i32
      %cond3A_109 = arith.constant 0 : i32
      %cond3A_110 = arith.cmpi ne, %convert_element_type3A_108, %cond3A_109 : i32
      scf.if %cond3A_110 {
        %dma_wait3A_131 = arith.constant 0 : i32
        %dma_wait3A_132 = tpu.memref_slice %arg4[%add3A_95, %dma_wait3A_131] : memref<425984x128xf32, #tpu.memory_space<hbm>> -> memref<128x128xf32, #tpu.memory_space<hbm>>
        %dma_wait3A_133 = arith.constant 0 : i32
        %dma_wait3A_134 = tpu.memref_slice %arg4[%add3A_95, %dma_wait3A_133] : memref<425984x128xf32, #tpu.memory_space<hbm>> -> memref<128x128xf32, #tpu.memory_space<hbm>>
        tpu.wait_dma2 semaphore(%arg16 : memref<!tpu.dma_semaphore, #tpu.memory_space<semaphore_mem>>) src(%arg8 : memref<128x128xf32, #tpu.memory_space<vmem>>) dst(%dma_wait3A_134 : memref<128x128xf32, #tpu.memory_space<hbm>>)
        %add3A_135 = arith.constant 4 : i32
        %add3A_136 = arith.addi %add3A_92, %add3A_135 : i32
        %dma_start3A_137 = arith.constant 0 : i32
        %dma_start3A_138 = tpu.memref_slice %arg5[%add3A_136, %dma_start3A_137] : memref<104x128xi32, #tpu.memory_space<vmem>> -> memref<1x128xi32, #tpu.memory_space<vmem>>
        %dma_start3A_139 = tpu.memref_squeeze %dma_start3A_138 : memref<1x128xi32, #tpu.memory_space<vmem>> -> memref<128xi32, #tpu.memory_space<vmem>>
        %dma_start3A_140 = arith.constant 0 : i32
        %dma_start3A_141 = arith.constant 0 : i32
        %dma_start3A_142 = tpu.memref_slice %arg3[%dma_start3A_140, %dma_start3A_141] : memref<100000x128xf32, #tpu.memory_space<hbm>> -> memref<100000x128xf32, #tpu.memory_space<hbm>>
        tpu.enqueue_indirect_dma source(%dma_start3A_142 : memref<100000x128xf32, #tpu.memory_space<hbm>>) target(%arg8 : memref<128x128xf32, #tpu.memory_space<vmem>>) offsets(%dma_start3A_139 : memref<128xi32, #tpu.memory_space<vmem>>) semaphore(%arg12 : memref<!tpu.dma_semaphore, #tpu.memory_space<semaphore_mem>>)
      } else {
      }
      %add3A_111 = arith.constant 3 : i32
      %add3A_112 = arith.addi %add3A_53, %add3A_111 : i32
      %mul3A_113 = arith.constant 128 : i32
      %mul3A_114 = arith.muli %add3A_112, %mul3A_113 : i32
      %add3A_115 = arith.addi %mul3A_2, %mul3A_114 : i32
      %dma_wait3A_116 = arith.constant 0 : i32
      %dma_wait3A_117 = tpu.memref_slice %arg5[%add3A_112, %dma_wait3A_116] : memref<104x128xi32, #tpu.memory_space<vmem>> -> memref<1x128xi32, #tpu.memory_space<vmem>>
      %dma_wait3A_118 = tpu.memref_squeeze %dma_wait3A_117 : memref<1x128xi32, #tpu.memory_space<vmem>> -> memref<128xi32, #tpu.memory_space<vmem>>
      %dma_wait3A_119 = arith.constant 0 : i32
      %dma_wait3A_120 = arith.constant 0 : i32
      %dma_wait3A_121 = tpu.memref_slice %arg3[%dma_wait3A_119, %dma_wait3A_120] : memref<100000x128xf32, #tpu.memory_space<hbm>> -> memref<100000x128xf32, #tpu.memory_space<hbm>>
      tpu.wait_indirect_dma semaphore(%arg13 : memref<!tpu.dma_semaphore, #tpu.memory_space<semaphore_mem>>) src(%dma_wait3A_121 : memref<100000x128xf32, #tpu.memory_space<hbm>>) dst(%arg9 : memref<128x128xf32, #tpu.memory_space<vmem>>)
      %dma_start3A_122 = arith.constant 0 : i32
      %dma_start3A_123 = tpu.memref_slice %arg4[%add3A_115, %dma_start3A_122] : memref<425984x128xf32, #tpu.memory_space<hbm>> -> memref<128x128xf32, #tpu.memory_space<hbm>>
      %dma_start3A_124 = arith.constant 0 : i32
      %dma_start3A_125 = tpu.memref_slice %arg4[%add3A_115, %dma_start3A_124] : memref<425984x128xf32, #tpu.memory_space<hbm>> -> memref<128x128xf32, #tpu.memory_space<hbm>>
      tpu.enqueue_dma source(%arg9 : memref<128x128xf32, #tpu.memory_space<vmem>>) target(%dma_start3A_125 : memref<128x128xf32, #tpu.memory_space<hbm>>) target_semaphore(%arg17 : memref<!tpu.dma_semaphore, #tpu.memory_space<semaphore_mem>>)
      %lt3A_126 = arith.constant 100 : i32
      %lt3A_127 = arith.cmpi slt, %add3A_112, %lt3A_126 : i32
      %convert_element_type3A_128 = arith.extui %lt3A_127 : i1 to i32
      %cond3A_129 = arith.constant 0 : i32
      %cond3A_130 = arith.cmpi ne, %convert_element_type3A_128, %cond3A_129 : i32
      scf.if %cond3A_130 {
        %dma_wait3A_131 = arith.constant 0 : i32
        %dma_wait3A_132 = tpu.memref_slice %arg4[%add3A_115, %dma_wait3A_131] : memref<425984x128xf32, #tpu.memory_space<hbm>> -> memref<128x128xf32, #tpu.memory_space<hbm>>
        %dma_wait3A_133 = arith.constant 0 : i32
        %dma_wait3A_134 = tpu.memref_slice %arg4[%add3A_115, %dma_wait3A_133] : memref<425984x128xf32, #tpu.memory_space<hbm>> -> memref<128x128xf32, #tpu.memory_space<hbm>>
        tpu.wait_dma2 semaphore(%arg17 : memref<!tpu.dma_semaphore, #tpu.memory_space<semaphore_mem>>) src(%arg9 : memref<128x128xf32, #tpu.memory_space<vmem>>) dst(%dma_wait3A_134 : memref<128x128xf32, #tpu.memory_space<hbm>>)
        %add3A_135 = arith.constant 4 : i32
        %add3A_136 = arith.addi %add3A_112, %add3A_135 : i32
        %dma_start3A_137 = arith.constant 0 : i32
        %dma_start3A_138 = tpu.memref_slice %arg5[%add3A_136, %dma_start3A_137] : memref<104x128xi32, #tpu.memory_space<vmem>> -> memref<1x128xi32, #tpu.memory_space<vmem>>
        %dma_start3A_139 = tpu.memref_squeeze %dma_start3A_138 : memref<1x128xi32, #tpu.memory_space<vmem>> -> memref<128xi32, #tpu.memory_space<vmem>>
        %dma_start3A_140 = arith.constant 0 : i32
        %dma_start3A_141 = arith.constant 0 : i32
        %dma_start3A_142 = tpu.memref_slice %arg3[%dma_start3A_140, %dma_start3A_141] : memref<100000x128xf32, #tpu.memory_space<hbm>> -> memref<100000x128xf32, #tpu.memory_space<hbm>>
        tpu.enqueue_indirect_dma source(%dma_start3A_142 : memref<100000x128xf32, #tpu.memory_space<hbm>>) target(%arg9 : memref<128x128xf32, #tpu.memory_space<vmem>>) offsets(%dma_start3A_139 : memref<128xi32, #tpu.memory_space<vmem>>) semaphore(%arg13 : memref<!tpu.dma_semaphore, #tpu.memory_space<semaphore_mem>>)
      } else {
      }
    }
    %scan3A_33 = arith.constant 26 : i32
    %dma_wait3A = arith.constant 0 : i32
    %dma_wait3A_34 = tpu.memref_slice %arg4[%mul3A_2, %dma_wait3A] : memref<425984x128xf32, #tpu.memory_space<hbm>> -> memref<128x128xf32, #tpu.memory_space<hbm>>
    %dma_wait3A_35 = arith.constant 0 : i32
    %dma_wait3A_36 = tpu.memref_slice %arg4[%mul3A_2, %dma_wait3A_35] : memref<425984x128xf32, #tpu.memory_space<hbm>> -> memref<128x128xf32, #tpu.memory_space<hbm>>
    tpu.wait_dma2 semaphore(%arg14 : memref<!tpu.dma_semaphore, #tpu.memory_space<semaphore_mem>>) src(%arg6 : memref<128x128xf32, #tpu.memory_space<vmem>>) dst(%dma_wait3A_36 : memref<128x128xf32, #tpu.memory_space<hbm>>)
    %dma_wait3A_37 = arith.constant 0 : i32
    %dma_wait3A_38 = tpu.memref_slice %arg4[%mul3A_2, %dma_wait3A_37] : memref<425984x128xf32, #tpu.memory_space<hbm>> -> memref<128x128xf32, #tpu.memory_space<hbm>>
    %dma_wait3A_39 = arith.constant 0 : i32
    %dma_wait3A_40 = tpu.memref_slice %arg4[%mul3A_2, %dma_wait3A_39] : memref<425984x128xf32, #tpu.memory_space<hbm>> -> memref<128x128xf32, #tpu.memory_space<hbm>>
    tpu.wait_dma2 semaphore(%arg15 : memref<!tpu.dma_semaphore, #tpu.memory_space<semaphore_mem>>) src(%arg7 : memref<128x128xf32, #tpu.memory_space<vmem>>) dst(%dma_wait3A_40 : memref<128x128xf32, #tpu.memory_space<hbm>>)
    %dma_wait3A_41 = arith.constant 0 : i32
    %dma_wait3A_42 = tpu.memref_slice %arg4[%mul3A_2, %dma_wait3A_41] : memref<425984x128xf32, #tpu.memory_space<hbm>> -> memref<128x128xf32, #tpu.memory_space<hbm>>
    %dma_wait3A_43 = arith.constant 0 : i32
    %dma_wait3A_44 = tpu.memref_slice %arg4[%mul3A_2, %dma_wait3A_43] : memref<425984x128xf32, #tpu.memory_space<hbm>> -> memref<128x128xf32, #tpu.memory_space<hbm>>
    tpu.wait_dma2 semaphore(%arg16 : memref<!tpu.dma_semaphore, #tpu.memory_space<semaphore_mem>>) src(%arg8 : memref<128x128xf32, #tpu.memory_space<vmem>>) dst(%dma_wait3A_44 : memref<128x128xf32, #tpu.memory_space<hbm>>)
    %dma_wait3A_45 = arith.constant 0 : i32
    %dma_wait3A_46 = tpu.memref_slice %arg4[%mul3A_2, %dma_wait3A_45] : memref<425984x128xf32, #tpu.memory_space<hbm>> -> memref<128x128xf32, #tpu.memory_space<hbm>>
    %dma_wait3A_47 = arith.constant 0 : i32
    %dma_wait3A_48 = tpu.memref_slice %arg4[%mul3A_2, %dma_wait3A_47] : memref<425984x128xf32, #tpu.memory_space<hbm>> -> memref<128x128xf32, #tpu.memory_space<hbm>>
    tpu.wait_dma2 semaphore(%arg17 : memref<!tpu.dma_semaphore, #tpu.memory_space<semaphore_mem>>) src(%arg9 : memref<128x128xf32, #tpu.memory_space<vmem>>) dst(%dma_wait3A_48 : memref<128x128xf32, #tpu.memory_space<hbm>>)
    return
  }
}

</mosaic_0001>

<sc_bundles>
// kernel: kernel.3.cloned.1.call-start
scs
__scs_entry_jumppad:
0x0: {  	(pc) =	sbr.rel $0x88, $3  }
0x1: {  	(tag) =	ssettag $0x0;
	lr =	simm.s32 $0x1  }
0x2: {  	[smem:$0x3F9F] =	sst lr;
	_ =	strace $0xD0000000  }
0x3: {  	_ = 	snop  }
0x4: {  	_ = 	snop  }
0x5: {  	_ = 	snop  }
0x6: {  	_ = 	snop  }
0x7: {  	_ = 	snop  }
__scs_overlays_trampoline_lowered:
0x8: {  	[smem:$0x3FAE] =	sst s0  }
0x9: {  	[smem:$0x3FAF] =	sst s1  }
0xa: {  	[smem:$0x3FB0] =	sst s2  }
0xb: {  	[smem:$0x3FB1] =	sst s3  }
0xc: {  	[smem:$0x3FB2] =	sst s4  }
0xd: {  	[smem:$0x3FB3] =	sst s5  }
0xe: {  	[smem:$0x3FB4] =	sst s6  }
0xf: {  	[smem:$0x3FB5] =	sst s7  }
0x10: {  	[smem:$0x3FB6] =	sst s8  }
0x11: {  	[smem:$0x3FB7] =	sst s9;
	s0 =	simm.s32 @!p0 $0x0  }
0x12: {  	s1 =	sld [smem:$0x3F9D];
	s0 =	simm.s32 @p0 $0x1  }
0x13: {  	[smem:$0x3FB8] =	sst s0;
	s0 =	simm.s32 @!p1 $0x0  }
0x14: {  	s2 =	sld [smem:$0x3F9C];
	s0 =	simm.s32 @p1 $0x1  }
0x15: {  	[smem:$0x3FB9] =	sst s0;
	s0 =	simm.s32 @!p2 $0x0  }
0x16: {  	s3 =	sld [smem:$0x3FDB];
	s0 =	simm.s32 @p2 $0x1  }
0x17: {  	s4 =	simm.s32 $0x1BF5;
	[smem:$0x3FBB] =	sst s0  }
0x18: {  	s0 =	sld [smem:$0x3F9E];
	_ =	swait.ge [sflag:s4], $0x0  }
0x19: {  	s7 =	sld [smem:$0x3F9F]  }
0x1a: {  	s8 =	sadd.s32 $0xFFFFE003, lr  }
0x1b: {  	s9 =	sadd.s32 $0xFFFFFEF7, lr;
	s5 =	simm.s32 $0xFFFFFFFF;
	p2 =	slt.u32 s8, $0xFFFFF086  }
0x1c: {  	p1 =	slt.u32 s9, $0xF7A;
	s5 =	simm.s32 @!p2 $0x0  }
0x1d: {  	s5 =	simm.s32 @p1 $0x1;
	p0 =	seq.s32 s7, s2  }
0x1e: {  	s7 =	smul.u32 @!p0 $0xF7A, s2;
	p2 =	seq.s32 @!p0 s5, $0x0  }
0x1f: {  	s9 =	smul.u32 $0xF7A, s1;
	s8 =	simm.s32 @!p0 $0x1BF5;
	p2 =	por !p2, p0  }
0x20: {  	[sflag:s8] =	ssyncset.s32 @!p0 $0xFFFFF086;
	s6 =	sadd.s32 @!p0 s3, s7;
	s7 =	simm.s32 @!p0 $0x108  }
0x21: {  	s3 =	sadd.s32 s3, s9;
	s6 =	sadd.s32 @!p0 $0x88, s6;
	s7 =	simm.s32 @p2 $0x1082  }
0x22: {  	[simem:s7], [sflag:s8] =	dma.local @!p0 [hbm:s6], $0xF7A  }
0x23: {  	s9 =	sor.u32 $0xD0000000, s2;
	s6 =	simm.s32 $0x108;
	_ =	swait.ge @!p0 [sflag:s8], $0x0  }
0x24: {  	s3 =	sadd.s32 $0x88, s3;
	s6 =	simm.s32 @!p1 $0x1082;
	[sflag:s4] =	ssyncset.s32 $0xFFFFF086  }
0x25: {  	[simem:s6], [sflag:s4] =	dma.local [hbm:s3], $0xF7A  }
0x26: {  	[smem:$0x3F9F] =	sst s1;
	(tag) =	ssettag s2;
	_ =	strace s9  }
0x27: {  	s1 =	sld [smem:$0x3FAF]  }
0x28: {  	s2 =	sld [smem:$0x3FB0]  }
0x29: {  	s4 =	sld [smem:$0x3FB2]  }
0x2a: {  	p0 =	seq.s32 s5, $0x0;
	s5 =	sld [smem:$0x3FB3]  }
0x2b: {  	s6 =	sld [smem:$0x3FB4]  }
0x2c: {  	s7 =	sld [smem:$0x3FB5]  }
0x2d: {  	s3 =	simm.s32 $0x108;
	s8 =	sld [smem:$0x3FB6]  }
0x2e: {  	s3 =	simm.s32 @!p0 $0x1082;
	s9 =	sld [smem:$0x3FB7]  }
0x2f: {  	lr =	sadd.s32 s0, s3;
	s0 =	sld [smem:$0x3FAE]  }
0x30: {  	s3 =	sld [smem:$0x3FB1]  }
0x31: {  	[smem:$0x3FBA] =	sst s10  }
0x32: {  	s10 =	sld [smem:$0x3FB8];
	_ =	sdelay $0x3  }
0x33: {  	p0 =	seq.s32 s10, $0x1;
	s10 =	sld [smem:$0x3FBA];
	_ =	sdelay $0x3  }
0x34: {  	[smem:$0x3FBA] =	sst s10  }
0x35: {  	s10 =	sld [smem:$0x3FB9];
	_ =	sdelay $0x3  }
0x36: {  	p1 =	seq.s32 s10, $0x1;
	s10 =	sld [smem:$0x3FBA];
	_ =	sdelay $0x3  }
0x37: {  	[smem:$0x3FBA] =	sst s10  }
0x38: {  	s10 =	sld [smem:$0x3FBB]  }
0x39: {  	_ = 	snop;
	(pc) =	sbr.ind lr, $3  }
0x3a: {  	_ = 	snop  }
0x3b: {  	_ = 	snop  }
0x3c: {  	p2 =	seq.s32 s10, $0x1;
	s10 =	sld [smem:$0x3FBA]  }
0x3d: {  	_ =	shalt  }
0x3e: {  	_ =	shalt  }
0x3f: {  	_ =	shalt  }
0x40: {  	_ =	shalt  }
0x41: {  	_ =	shalt  }
0x42: {  	_ =	shalt  }
0x43: {  	_ =	shalt  }
0x44: {  	_ =	shalt  }
0x45: {  	_ =	shalt  }
0x46: {  	_ =	shalt  }
0x47: {  	_ =	shalt  }
0x48: {  	_ =	shalt  }
0x49: {  	_ =	shalt  }
0x4a: {  	_ =	shalt  }
0x4b: {  	_ =	shalt  }
0x4c: {  	_ =	shalt  }
0x4d: {  	_ =	shalt  }
0x4e: {  	_ =	shalt  }
0x4f: {  	_ =	shalt  }
0x50: {  	_ =	shalt  }
0x51: {  	_ =	shalt  }
0x52: {  	_ =	shalt  }
0x53: {  	_ =	shalt  }
0x54: {  	_ =	shalt  }
0x55: {  	_ =	shalt  }
0x56: {  	_ =	shalt  }
0x57: {  	_ =	shalt  }
0x58: {  	_ =	shalt  }
0x59: {  	_ =	shalt  }
0x5a: {  	_ =	shalt  }
0x5b: {  	_ =	shalt  }
0x5c: {  	_ =	shalt  }
0x5d: {  	_ =	shalt  }
0x5e: {  	_ =	shalt  }
0x5f: {  	_ =	shalt  }
0x60: {  	_ =	shalt  }
0x61: {  	_ =	shalt  }
0x62: {  	_ =	shalt  }
0x63: {  	_ =	shalt  }
0x64: {  	_ =	shalt  }
0x65: {  	_ =	shalt  }
0x66: {  	_ =	shalt  }
0x67: {  	_ =	shalt  }
0x68: {  	_ =	shalt  }
0x69: {  	_ =	shalt  }
0x6a: {  	_ =	shalt  }
0x6b: {  	_ =	shalt  }
0x6c: {  	_ =	shalt  }
0x6d: {  	_ =	shalt  }
0x6e: {  	_ =	shalt  }
0x6f: {  	_ =	shalt  }
0x70: {  	_ =	shalt  }
0x71: {  	_ =	shalt  }
0x72: {  	_ =	shalt  }
0x73: {  	_ =	shalt  }
0x74: {  	_ =	shalt  }
0x75: {  	_ =	shalt  }
0x76: {  	_ =	shalt  }
0x77: {  	_ =	shalt  }
0x78: {  	_ =	shalt  }
0x79: {  	_ =	shalt  }
0x7a: {  	_ =	shalt  }
0x7b: {  	_ =	shalt  }
0x7c: {  	_ =	shalt  }
0x7d: {  	_ =	shalt  }
0x7e: {  	_ =	shalt  }
0x7f: {  	_ =	shalt  }
0x80: {  	_ =	shalt  }
0x81: {  	_ =	shalt  }
0x82: {  	_ =	shalt  }
0x83: {  	_ =	shalt  }
0x84: {  	_ =	shalt  }
0x85: {  	_ =	shalt  }
0x86: {  	_ =	shalt  }
0x87: {  	_ =	shalt  }
.Lfunc_end0:
.L_simem_size_0:
called_computation.1_lowered:
.L_overlay_start_0:
0x88: {  	s2 =	sld [smem:$0x3FD9]  }
0x89: {  	s3 =	sld [smem:$0x3FFE];
	_ =	sdelay $0x1  }
0x8a: {  	s1 =	srdreg.scid  }
0x8b: {  	s0 =	sand.u32 $0x1, s1  }
0x8c: {  	s17 =	sshll.u32 s0, $0xA;
	s2 =	sadd.s32 s3, s2  }
0x8d: {  	s2 =	sadd.s32 s2, s17  }
0x8e: {  	[smem:$0x3FC6] =	sst s2  }
0x8f: {  	_ = 	snop  }
0x90: {  	s2 =	sld [smem:$0x3FC8]  }
0x91: {  	s18 =	sld [smem:$0x3FD0];
	(tm) =	ssettm $0x1  }
0x92: {  	s4 =	sld [smem:$0x3FFB];
	_ =	sdelay $0x3  }
0x93: {  	_ =	strace s4  }
0x94: {  	s4 =	sld [smem:$0x3FFC];
	_ =	sdelay $0x3  }
0x95: {  	_ =	strace s4  }
0x96: {  	s4 =	sld [smem:$0x3FFD];
	_ =	sdelay $0x3  }
0x97: {  	_ =	strace s4  }
0x98: {  	_ =	strace $0x8FFFFFFF  }
0x99: {  	s19 =	sld [smem:$0x3FDB];
	_ =	sdelay $0x1  }
0x9a: {  	s5 =	simm.s32 $_scs_section_size  }
0x9b: {  	s6 =	simm.s32 $_size__tile_overlayer_lowered;
	s7 =	simm.s32 $_tile_overlayer_lowered  }
0x9c: {  	s22 =	simm.s32 $0x1BFF;
	s21 =	sshll.u32 s7, $0x1;
	s4 =	sadd.s32 s5, s19  }
0x9d: {  	s8 =	simm.s32 $0x0;
	s20 =	sshll.u32 s6, $0x1;
	s6 =	sadd.s32 s21, s4  }
0x9e: {  	[timem:s8], [sflag:s22] =	dma.local [hbm:s6], s20  }
0x9f: {  	_ =	swait.ge [sflag:s22], s20  }
0xa0: {  	s5 =	ssub.s32 $0x0, s20;
	[sflag:s22] =	ssyncset.done $0x0  }
0xa1: {  	[sflag:s22] =	ssyncadd.s32 s5;
	_ =	sdelay $0x1  }
0xa2: {  	s23 =	simm.s32 $0x1B8B  }
0xa3: {  	_ =	swait.ge [sflag:s23], $0x1  }
0xa4: {  	[sflag:s23] =	ssyncset.done $0x0  }
0xa5: {  	s25 =	simm.s32 $0x1B8E;
	s24 =	sld [smem:$0x3FFE];
	[sflag:s23] =	ssyncadd.s32 $0xFFFFFFFF  }
0xa6: {  	s26 =	simm.s32 $execute0_lowered;
	[smem:$0x3FD2] =	sst s25  }
0xa7: {  	s6 =	sshll.u32 s26, $0x1;
	_ =	strace $0x80000046;
	[dreg:$0x1] =	wrdreg $0xFFFFFFFF  }
0xa8: {  	s28 =	simm.s32 $_size_execute0_lowered;
	s4 =	sadd.s32 s4, s6;
	[dreg:$0x0] =	wrdreg $0x0  }
0xa9: {  	s6 =	sshll.u32 s28, $0x1;
	[dreg:$0x2] =	wrdreg s4  }
0xaa: {  	[dreg:$0x3] =	wrdreg s6  }
0xab: {  	[dreg:$0x4] =	wrdreg $0xC0  }
0xac: {  	_ =	task [dreg:s8], $0x5FFFF  }
0xad: {  	[dreg:$0x1] =	wrdreg $0xFFFFFFFF  }
0xae: {  	[dreg:$0x0] =	wrdreg $0x60  }
0xaf: {  	[dreg:$0x2] =	wrdreg s24  }
0xb0: {  	[dreg:$0x3] =	wrdreg s2  }
0xb1: {  	[dreg:$0x4] =	wrdreg s18  }
0xb2: {  	[dreg:$0x5] =	wrdreg $0x9  }
0xb3: {  	_ =	task.clear_ibuf [dreg:s8], $0x6FFFF;
	_ =	strace $0x90000046  }
0xb4: {  	s29 =	simm.s32 $0x9;
	_ =	strace $0x80000048  }
0xb5: {  	_ =	swait.ge [sflag:s29], $0x1  }
0xb6: {  	[sflag:s29] =	ssyncadd.s32 $0xFFFFFFFF  }
0xb7: {  	_ =	strace $0x90000048  }
0xb8: {  	_ =	sfence  }
0xb9: {  	s30 =	sld [smem:$0x0];
	_ =	sdelay $0x2  }
0xba: {  	s31 =	sshll.u32 s1, $0xD;
	s1 =	sshrl.u32 s1, $0x2  }
0xbb: {  	s3 =	sand.u32 $0x4000, s31;
	s1 =	sadd.s32 s1, s30  }
0xbc: {  	s0 =	sor.u32 s3, s0;
	s1 =	sshll.u32 s1, $0x11  }
0xbd: {  	s0 =	sor.u32 s1, s0  }
0xbe: {  	s0 =	sadd.s32 $0x8F2B, s0  }
0xbf: {  	[sflag:s0] =	ssyncadd.remote.s32 $0x1  }
0xc0: {  	_ =	sfence.sel $0xFFFF  }
0xc1: {  	[dreg:$0x0] =	wrdreg $0xFFFFFFFF;
	(pc) =	sbr.abs _section_cstart, $3  }
0xc2: {  	[dreg:$0x1] =	wrdreg $0xFFFFFFFF  }
0xc3: {  	_ =	task.clear_ibuf [dreg:s8], $0x2FFFF;
	_ =	strace $0x9FFFFFFF  }
0xc4: {  	(tm) =	ssettm $0x7FFFFFFF  }
0xc5: {  	_ =	shalt  }
tec
execute0_lowered:
.L_overlay_start_1:
0x0: {  	(tag) =	ssettag $0x1  }
0x1: {  	s0 =	srdreg.scid;
	s1 =	rddreg [dreg:$0x0]  }
0x2: {  	s7 =	stileid.u32;
	s2 =	rddreg [dreg:$0x1]  }
0x3: {  	s8 =	rddreg [dreg:$0x2];
	s12 =	simm.s32 $0x9;
	s13 =	simm.s32 $0x80  }
0x4: {  	s14 =	simm.s32 $0x3400;
	s17 =	simm.s32 $0xB400;
	s19 =	simm.s32 $0xF400  }
0x5: {  	s20 =	simm.s32 $0x1;
	s21 =	simm.s32 $0x3;
	s22 =	simm.s32 $0x4  }
0x6: {  	s0 =	sand.u32 $0x1, s0;
	s3 =	sshll.u32 s7, $0x1;
	s7 =	smul.u32 $0x340000, s7  }
0x7: {  	s4 =	sor.u32 s0, s3;
	s6 =	ssub.s32 $0x2, s0;
	s0 =	smul.u32 $0x1A0000, s0  }
0x8: {  	s23 =	simm.s32 $0x5;
	s3 =	simm.s32 $0x0;
	s5 =	smul.u32 $0x680, s4  }
0x9: {  	s4 =	smul.u32 $0x1A0000, s4;
	[smem:$0x7FF] =	sst s3;
	s9 =	sshrl.u32 s6, $0x1  }
0xa: {  	s28 =	simm.s32 $0x0;
	_ =	strace $0x80000047;
	s24 =	ssub.s32 s6, s9  }
0xb: {  	s0 =	sadd.s32 s0, s7;
	s1 =	sadd.s32 s5, s1;
	s25 =	sshrl.u32 s4, $0x3  }
0xc: {  	s5 =	smax.u32 s24, $0x1;
	s29 =	sor.u32 $0xC000, s0;
	s31 =	sor.u32 $0x8000, s0  }
0xd: {  	s10 =	sor.u32 $0x4000, s0;
	s0 =	sshrl.u32 s0, $0x3;
	s24 =	simm.s32 $0x6  }
.Ltmp0:
0xe: {  	s1 =	sadd.s32 $0x800, s1;
	s26 =	sadd.s32 s8, s25;
	(pc) =	sbr.rel .LBB2_1-.Ltmp0, $4  }
0xf: {  	s30 =	sshrl.u32 s29, $0x3;
	s9 =	sshrl.u32 s31, $0x3;
	s10 =	sshrl.u32 s10, $0x3  }
0x10: {  	s11 =	sadd.s32 s0, s8;
	s25 =	simm.s32 $0x7;
	[dreg:$0x4] =	wrdreg s1  }
0x11: {  	s6 =	sadd.s32 $0x32800, s26;
	s7 =	sadd.s32 $0x33800, s26;
	s1 =	sadd.s32 s30, s8  }
0x12: {  	s9 =	sadd.s32 s9, s8;
	s10 =	sadd.s32 s10, s8;
	s26 =	simm.s32 $0x8  }
.LBB2_4:
0x13: {  	_ =	swait.ge [sflag:s22], $0x4000  }
0x14: {  	[sflag:s22] =	ssyncset.done $0x0  }
0x15: {  	[sflag:s22] =	ssyncadd.s32 $0xFFFFC000  }
0x16: {  	[hbm4b:s7+s3] =	stream.linear.scatter [tilespmem:s19], [sflag:$0x8], $0x4000, $0x38;
	[tilespmem:$0x13400] =	vst v63  }
0x17: {  	_ =	swait.ge [sflag:s23], $0x4000  }
0x18: {  	[sflag:s23] =	ssyncset.done $0x0  }
0x19: {  	[sflag:s23] =	ssyncadd.s32 $0xFFFFC000  }
0x1a: {  	_ =	swait.ge [sflag:s24], $0x4000  }
0x1b: {  	[sflag:s24] =	ssyncset.done $0x0  }
0x1c: {  	s28 =	sadd.s32 $0x1, s28;
	[sflag:s24] =	ssyncadd.s32 $0xFFFFC000  }
0x1d: {  	p0 =	sne.s32 s28, s5;
	_ =	swait.ge [sflag:s25], $0x4000  }
.Ltmp1:
0x1e: {  	[sflag:s25] =	ssyncset.done $0x0;
	(pc) =	sbr.rel @!p0 .LBB2_5-.Ltmp1, $4  }
0x1f: {  	[sflag:s25] =	ssyncadd.s32 $0xFFFFC000  }
0x20: {  	_ =	swait.ge [sflag:s26], $0x4000  }
0x21: {  	[sflag:s26] =	ssyncset.done $0x0  }
0x22: {  	[sflag:s26] =	ssyncadd.s32 $0xFFFFC000  }
.LBB2_1:
0x23: {  	s0 =	rddreg [dreg:$0x4]  }
0x24: {  	[tilespmem:s3], [sflag:$0x9] =	stream.linear.gather [hbm4b:s0+s3], $0x3400, $0x38;
	[tilespmem:$0x13400] =	vst v63  }
0x25: {  	_ =	swait.ge [sflag:s12], $0x3400  }
0x26: {  	[sflag:s12] =	ssyncset.done $0x0  }
0x27: {  	[sflag:s12] =	ssyncadd.s32 $0xFFFFCC00  }
0x28: {  	[tilespmem:s14], [sflag:$0x1] =	stream.indirect.gather [hbm4b:s2+s13], $0x80, s3, s13, $0xb8;
	[tilespmem:$0x13400] =	vst v63  }
0x29: {  	s15 =	simm.s32 $0x7400;
	s16 =	simm.s32 $0x100  }
0x2a: {  	[tilespmem:s15], [sflag:$0x2] =	stream.indirect.gather [hbm4b:s2+s13], $0x80, s13, s13, $0xb8;
	[tilespmem:$0x13400] =	vst v63  }
0x2b: {  	s18 =	simm.s32 $0x180;
	s29 =	smov.u32 s11;
	s30 =	smov.u32 s10  }
0x2c: {  	[tilespmem:s17], [sflag:$0x3] =	stream.indirect.gather [hbm4b:s2+s13], $0x80, s16, s13, $0xb8;
	[tilespmem:$0x13400] =	vst v63  }
0x2d: {  	s31 =	smov.u32 s9;
	s8 =	smov.u32 s1;
	s0 =	simm.s32 $0x0  }
0x2e: {  	[tilespmem:s19], [sflag:$0x4] =	stream.indirect.gather [hbm4b:s2+s13], $0x80, s18, s13, $0xb8;
	[tilespmem:$0x13400] =	vst v63  }
.LBB2_2:
0x2f: {  	_ =	swait.ge [sflag:s20], $0x4000  }
0x30: {  	p0 =	seq.s32 s0, $0xC800;
	[sflag:s20] =	ssyncset.done $0x0  }
0x31: {  	s15 =	simm.s32 @p0 $0x2;
	[sflag:s20] =	ssyncadd.s32 $0xFFFFC000  }
0x32: {  	[hbm4b:s29+s3] =	stream.linear.scatter [tilespmem:s14], [sflag:$0x5], $0x4000, $0x38;
	[tilespmem:$0x13400] =	vst v63  }
0x33: {  	_ =	swait.ge @p0 [sflag:s15], $0x4000  }
0x34: {  	[sflag:s15] =	ssyncset.done @p0 $0x0  }
0x35: {  	s16 =	simm.s32 @p0 $0x7400;
	[sflag:s15] =	ssyncadd.s32 @p0 $0xFFFFC000;
	s15 =	simm.s32 @p0 $0x0  }
0x36: {  	[hbm4b:s6+s15] =	stream.linear.scatter @p0 [tilespmem:s16], [sflag:$0x6], $0x4000, $0x38;
	[tilespmem:$0x13400] =	vst v63  }
0x37: {  	s15 =	simm.s32 @!p0 $0x5  }
0x38: {  	_ =	swait.ge @!p0 [sflag:s15], $0x4000  }
0x39: {  	[sflag:s15] =	ssyncset.done @!p0 $0x0  }
0x3a: {  	[sflag:s15] =	ssyncadd.s32 @!p0 $0xFFFFC000;
	s15 =	sshra.s32 @!p0 s0, $0x2  }
0x3b: {  	s18 =	simm.s32 @!p0 $0x80;
	s4 =	simm.s32 @!p0 $0x3400;
	s16 =	sadd.s32 @!p0 $0x200, s15  }
0x3c: {  	[tilespmem:s4], [sflag:$0x1] =	stream.indirect.gather @!p0 [hbm4b:s2+s18], $0x80, s16, s18, $0xb8;
	[tilespmem:$0x13400] =	vst v63  }
0x3d: {  	s4 =	simm.s32 @!p0 $0x2  }
0x3e: {  	_ =	swait.ge @!p0 [sflag:s4], $0x4000  }
0x3f: {  	[sflag:s4] =	ssyncset.done @!p0 $0x0  }
0x40: {  	s16 =	simm.s32 @!p0 $0x7400;
	[sflag:s4] =	ssyncadd.s32 @!p0 $0xFFFFC000;
	s4 =	simm.s32 @!p0 $0x0  }
0x41: {  	[hbm4b:s30+s4] =	stream.linear.scatter @!p0 [tilespmem:s16], [sflag:$0x6], $0x4000, $0x38;
	[tilespmem:$0x13400] =	vst v63  }
0x42: {  	s4 =	simm.s32 @!p0 $0x6  }
0x43: {  	_ =	swait.ge @!p0 [sflag:s4], $0x4000  }
0x44: {  	[sflag:s4] =	ssyncset.done @!p0 $0x0  }
0x45: {  	[sflag:s4] =	ssyncadd.s32 @!p0 $0xFFFFC000;
	s4 =	sadd.s32 @!p0 $0x280, s15  }
0x46: {  	[tilespmem:s16], [sflag:$0x2] =	stream.indirect.gather @!p0 [hbm4b:s2+s18], $0x80, s4, s18, $0xb8;
	[tilespmem:$0x13400] =	vst v63  }
.Ltmp2:
0x47: {  	_ = 	snop;
	(pc) =	sbr.rel @p0 .LBB2_4-.Ltmp2, $4  }
0x48: {  	_ =	swait.ge [sflag:s21], $0x4000  }
0x49: {  	[sflag:s21] =	ssyncset.done $0x0  }
0x4a: {  	[sflag:s21] =	ssyncadd.s32 $0xFFFFC000  }
0x4b: {  	[hbm4b:s31+s3] =	stream.linear.scatter [tilespmem:s17], [sflag:$0x7], $0x4000, $0x38;
	[tilespmem:$0x13400] =	vst v63  }
0x4c: {  	_ =	swait.ge [sflag:s25], $0x4000  }
0x4d: {  	s4 =	sshra.s32 s0, $0x2;
	[sflag:s25] =	ssyncset.done $0x0  }
0x4e: {  	s15 =	sadd.s32 $0x300, s4;
	[sflag:s25] =	ssyncadd.s32 $0xFFFFC000  }
0x4f: {  	[tilespmem:s17], [sflag:$0x3] =	stream.indirect.gather [hbm4b:s2+s13], $0x80, s15, s13, $0xb8;
	[tilespmem:$0x13400] =	vst v63  }
0x50: {  	_ =	swait.ge [sflag:s22], $0x4000  }
0x51: {  	[sflag:s22] =	ssyncset.done $0x0  }
0x52: {  	[sflag:s22] =	ssyncadd.s32 $0xFFFFC000  }
0x53: {  	[hbm4b:s8+s3] =	stream.linear.scatter [tilespmem:s19], [sflag:$0x8], $0x4000, $0x38;
	[tilespmem:$0x13400] =	vst v63  }
.Ltmp3:
0x54: {  	_ = 	snop;
	(pc) =	sbr.rel .LBB2_2-.Ltmp3, $4  }
0x55: {  	s0 =	sadd.s32 $0x800, s0;
	s31 =	sadd.s32 $0x2000, s31;
	_ =	swait.ge [sflag:s26], $0x4000  }
0x56: {  	s30 =	sadd.s32 $0x2000, s30;
	s29 =	sadd.s32 $0x2000, s29;
	[sflag:s26] =	ssyncset.done $0x0  }
0x57: {  	s4 =	sadd.s32 $0x380, s4;
	s8 =	sadd.s32 $0x2000, s8;
	[sflag:s26] =	ssyncadd.s32 $0xFFFFC000  }
0x58: {  	[tilespmem:s19], [sflag:$0x4] =	stream.indirect.gather [hbm4b:s2+s13], $0x80, s4, s13, $0xb8;
	[tilespmem:$0x13400] =	vst v63  }
.LBB2_5:
0x59: {  	_ =	sfence.sel $0x180000  }
0x5a: {  	[bflag:$0x0] =	sbarrier.arrive $0xFFFF  }
0x5b: {  	_ =	strace $0x90000047  }
0x5c: {  	s0 =	stileid.u32;
	[bflag:$0x2] =	sbarrier.arrive $0xFFFF  }
0x5d: {  	p0 =	sne.s32 s0, $0x0;
	s0 =	rddreg [dreg:$0x3]  }
0x5e: {  	s0 =	sadd.s32 @!p0 $0x100000, s0  }
0x5f: {  	[sflag:s0] =	ssyncadd.tile.s32 @!p0 $0x1;
	_ =	shalt  }
.Lfunc_end2:
_tile_overlayer_lowered:
.L_overlay_start_2:
0x60: {  	(tag) =	ssettag $0x2  }
0x61: {  	s0 =	rddreg [dreg:$0x0];
	s2 =	stileid.u32  }
0x62: {  	s1 =	rddreg [dreg:$0x1];
	p0 =	sne.s32 s2, $0x0  }
0x63: {  	s3 =	rddreg [dreg:$0x2];
	[bflag:$0x3] =	sbarrier.arrive $0xFFFF;
	s2 =	simm.s32 @!p0 $0x1C09  }
0x64: {  	[timem:s3], [sflag:s2] =	dma.local @!p0 [hbm:s0], s1  }
0x65: {  	s0 =	simm.s32 @!p0 $0x9  }
0x66: {  	_ =	swait.ge @!p0 [sflag:s0], s1  }
0x67: {  	s1 =	ssub.s32 @!p0 $0x0, s1;
	[sflag:s0] =	ssyncset.done @!p0 $0x0  }
0x68: {  	[sflag:s0] =	ssyncadd.s32 @!p0 s1  }
0x69: {  	[bflag:$0x3] =	sbarrier.arrive $0xFFFF  }
0x6a: {  	_ =	shalt  }

// kernel: sparse-core-data-format-call.cloned.1.call-start
scs
called_computation_lowered:
.L_overlay_start_0:
0x0: {  	s2 =	sld [smem:$0x3FD9]  }
0x1: {  	s3 =	sld [smem:$0x3FFE];
	_ =	sdelay $0x1  }
0x2: {  	s1 =	srdreg.scid  }
0x3: {  	s0 =	sand.u32 $0x1, s1  }
0x4: {  	s18 =	sshll.u32 s0, $0xA;
	s2 =	sadd.s32 s3, s2  }
0x5: {  	s2 =	sadd.s32 s2, s18  }
0x6: {  	[smem:$0x3FC6] =	sst s2  }
0x7: {  	_ = 	snop  }
0x8: {  	s2 =	sld [smem:$0x3FD0];
	(tm) =	ssettm $0x1  }
0x9: {  	s19 =	sld [smem:$0x3FFB];
	_ =	sdelay $0x3  }
0xa: {  	_ =	strace s19  }
0xb: {  	s3 =	sld [smem:$0x3FFC];
	_ =	sdelay $0x3  }
0xc: {  	_ =	strace s3  }
0xd: {  	s3 =	sld [smem:$0x3FFD];
	_ =	sdelay $0x3  }
0xe: {  	_ =	strace s3  }
0xf: {  	_ =	strace $0x8FFFFFFF  }
0x10: {  	s20 =	sld [smem:$0x3FDB];
	_ =	sdelay $0x1  }
0x11: {  	s4 =	simm.s32 $_scs_section_size  }
0x12: {  	s5 =	simm.s32 $_size__tile_overlayer_lowered;
	s6 =	simm.s32 $_tile_overlayer_lowered  }
0x13: {  	s23 =	simm.s32 $0x1BFF;
	s22 =	sshll.u32 s6, $0x1;
	s3 =	sadd.s32 s4, s20  }
0x14: {  	s7 =	simm.s32 $0x0;
	s21 =	sshll.u32 s5, $0x1;
	s5 =	sadd.s32 s22, s3  }
0x15: {  	[timem:s7], [sflag:s23] =	dma.local [hbm:s5], s21  }
0x16: {  	_ =	swait.ge [sflag:s23], s21  }
0x17: {  	s4 =	ssub.s32 $0x0, s21;
	[sflag:s23] =	ssyncset.done $0x0  }
0x18: {  	[sflag:s23] =	ssyncadd.s32 s4;
	_ =	sdelay $0x1  }
0x19: {  	s24 =	simm.s32 $0x1B8B  }
0x1a: {  	_ =	swait.ge [sflag:s24], $0x1  }
0x1b: {  	[sflag:s24] =	ssyncset.done $0x0  }
0x1c: {  	s26 =	simm.s32 $0x1B8E;
	s25 =	sld [smem:$0x3FFE];
	[sflag:s24] =	ssyncadd.s32 $0xFFFFFFFF  }
0x1d: {  	s27 =	simm.s32 $execute0_lowered;
	[smem:$0x3FD2] =	sst s26  }
0x1e: {  	s5 =	sshll.u32 s27, $0x1;
	_ =	strace $0x80000049;
	[dreg:$0x1] =	wrdreg $0xFFFFFFFF  }
0x1f: {  	s28 =	simm.s32 $_size_execute0_lowered;
	s3 =	sadd.s32 s3, s5;
	[dreg:$0x0] =	wrdreg $0x0  }
0x20: {  	s5 =	sshll.u32 s28, $0x1;
	[dreg:$0x2] =	wrdreg s3  }
0x21: {  	[dreg:$0x3] =	wrdreg s5  }
0x22: {  	[dreg:$0x4] =	wrdreg $0xC0  }
0x23: {  	_ =	task [dreg:s7], $0x5FFFF  }
0x24: {  	[dreg:$0x1] =	wrdreg $0xFFFFFFFF  }
0x25: {  	[dreg:$0x0] =	wrdreg $0x60  }
0x26: {  	[dreg:$0x2] =	wrdreg s25  }
0x27: {  	[dreg:$0x3] =	wrdreg s2  }
0x28: {  	[dreg:$0x4] =	wrdreg $0x9  }
0x29: {  	_ =	task.clear_ibuf [dreg:s7], $0x5FFFF;
	_ =	strace $0x90000049  }
0x2a: {  	s29 =	simm.s32 $0x9;
	_ =	strace $0x8000004B  }
0x2b: {  	_ =	swait.ge [sflag:s29], $0x1  }
0x2c: {  	[sflag:s29] =	ssyncadd.s32 $0xFFFFFFFF  }
0x2d: {  	_ =	strace $0x9000004B  }
0x2e: {  	_ =	sfence  }
0x2f: {  	s30 =	sld [smem:$0x0];
	_ =	sdelay $0x2  }
0x30: {  	s31 =	sshll.u32 s1, $0xD;
	s1 =	sshrl.u32 s1, $0x2  }
0x31: {  	s3 =	sand.u32 $0x4000, s31;
	s1 =	sadd.s32 s1, s30  }
0x32: {  	s0 =	sor.u32 s3, s0;
	s1 =	sshll.u32 s1, $0x11  }
0x33: {  	s0 =	sor.u32 s1, s0  }
0x34: {  	s0 =	sadd.s32 $0x8F2B, s0  }
0x35: {  	[sflag:s0] =	ssyncadd.remote.s32 $0x1  }
0x36: {  	_ =	sfence.sel $0xFFFF  }
0x37: {  	[dreg:$0x0] =	wrdreg $0xFFFFFFFF;
	(pc) =	sbr.abs _section_cstart, $3  }
0x38: {  	[dreg:$0x1] =	wrdreg $0xFFFFFFFF  }
0x39: {  	_ =	task.clear_ibuf [dreg:s7], $0x2FFFF;
	_ =	strace $0x9FFFFFFF  }
0x3a: {  	(tm) =	ssettm $0x7FFFFFFF  }
0x3b: {  	_ =	shalt  }
tec
execute0_lowered:
.L_overlay_start_1:
0x0: {  	(tag) =	ssettag $0x1  }
0x1: {  	s0 =	srdreg.scid  }
0x2: {  	s1 =	sshll.u32 s0, $0x4  }
0x3: {  	s0 =	stileid.u32;
	s1 =	sand.u32 $0x10, s1  }
0x4: {  	s1 =	sor.u32 s0, s1  }
0x5: {  	s6 =	rddreg [dreg:$0x0];
	s4 =	simm.s32 $0x1;
	s2 =	sshll.u32 s1, $0x6  }
0x6: {  	s7 =	simm.s32 $0x2;
	s13 =	simm.s32 $0x0;
	s1 =	ssub.s32 $0x4000, s2  }
0x7: {  	s8 =	simm.s32 $0x2000;
	s9 =	simm.s32 $0x200000;
	s3 =	sand.u32 $0x7C0, s1  }
0x8: {  	s14 =	simm.s32 $0x0;
	s5 =	sshrl.u32 s1, $0xB;
	p0 =	sne.s32 s3, $0x0  }
.Ltmp0:
0x9: {  	s1 =	rddreg [dreg:$0x2];
	s4 =	simm.s32 @!p0 $0x0;
	(pc) =	sbr.rel .LBB1_1-.Ltmp0, $4  }
0xa: {  	s10 =	simm.s32 $0x0;
	s3 =	rddreg [dreg:$0x1];
	s5 =	sadd.s32 s4, s5  }
0xb: {  	_ =	strace $0x8000004A;
	s4 =	simm.s32 $0x1;
	s5 =	smul.u32 $0xD, s5  }
0xc: {  	s12 =	simm.s32 $0x0;
	s6 =	sadd.s32 $0x800, s6;
	[sflag:s4] =	ssyncpa.u1 $0x0  }
0xd: {  	s11 =	smov.u32 s2;
	[sflag:s7] =	ssyncpa.u1 $0x0;
	s7 =	sadd.s32 $0x1, s5  }
.LBB1_7:
0xe: {  	s15 =	sadd.s32 $0x2, s10  }
0xf: {  	s13 =	sadd.s32 $0x800, s11;
	s17 =	smov.u32 s11;
	p1 =	sgt.s32 s15, $0x19  }
0x10: {  	s17 =	smov.u32 @p1 s13  }
0x11: {  	s15 =	simm.s32 @p1 $0x0;
	p1 =	sgt.s32 s17, $0x3FFF  }
0x12: {  	s17 =	smov.u32 @p1 s2;
	p1 =	sne.s32 s12, s7  }
.Ltmp1:
0x13: {  	p0 =	slt.u32 s12, $0x2;
	(pc) =	sbr.rel @!p1 .LBB1_8-.Ltmp1, $4  }
0x14: {  	s16 =	simm.s32 @!p0 $0x2  }
0x15: {  	s14 =	smov.u32 s11;
	_ =	swait.ge @!p0 [sflag:s16], $0x4000  }
0x16: {  	s13 =	smov.u32 s10;
	[sflag:s16] =	ssyncset.done @!p0 $0x0;
	s10 =	smov.u32 s15  }
0x17: {  	s12 =	sadd.s32 $0x1, s12;
	[sflag:s16] =	ssyncadd.s32 @!p0 $0xFFFFC000;
	s11 =	smov.u32 s17  }
.LBB1_1:
0x18: {  	p0 =	sge.u32 s12, s5  }
0x19: {  	s31 =	sadd.s32 $0xFFFFFFFF, s12;
	s15 =	sxor.u32 @!p0 $0xFFFFFFFF, s12  }
0x1a: {  	s16 =	sshll.u32 @!p0 s11, $0x9;
	s17 =	sshll.u32 @!p0 s10, $0x4;
	s18 =	simm.s32 @!p0 $0x1000  }
0x1b: {  	s15 =	sshll.u32 @!p0 s15, $0xE;
	s17 =	sand.u32 @!p0 $0x1F0, s17;
	s16 =	sadd.s32 @!p0 s6, s16  }
0x1c: {  	s15 =	sand.u32 @!p0 $0x4000, s15;
	s16 =	sadd.s32 @!p0 s17, s16;
	s17 =	simm.s32 @!p0 $0x100  }
0x1d: {  	[tilespmem:s15], [sflag:$0x1] =	stream.strided.gather @!p0 [hbm4b:s16+s17], $0x4000, s18, s17, $0x38;
	[tilespmem:$0x10000] =	vst v63  }
0x1e: {  	p0 =	sge.u32 s31, s5  }
.Ltmp2:
0x1f: {  	_ = 	snop;
	(pc) =	sbr.rel @p0 .LBB1_7-.Ltmp2, $1  }
0x20: {  	_ =	sdelay $0x3  }
0x21: {  	_ =	swait.ge [sflag:s4], $0x4000;
	s15 =	sshll.u32 s12, $0xE  }
0x22: {  	[sflag:s4] =	ssyncset.done $0x0;
	s16 =	sand.u32 $0x4000, s15  }
0x23: {  	s17 =	simm.s32 $0x0;
	[sflag:s4] =	ssyncadd.s32 $0xFFFFC000;
	s15 =	sor.u32 $0x8000, s16  }
.LBB1_3:
0x24: {  	s18 =	sshll.u32 s17, $0x8  }
0x25: {  	s18 =	sand.u32 $0x3FFFFF00, s18  }
0x26: {  	s19 =	sshll.u32 s17, $0x7;
	s18 =	sadd.s32 s18, s16  }
0x27: {  	s19 =	sand.u32 $0x3FFFFF80, s19;
	v0 =	vmov s18  }
0x28: {  	s19 =	sadd.s32 s19, s15  }
0x29: {  	p0 =	por $0x1, $0x1;
	v1 =	vmov s19;
	s18 =	simm.s32 $0x0  }
.LBB1_4:
0x2a: {  	s19 =	sshll.u32 s18, $0x7  }
0x2b: {  	s19 =	sand.u32 $0x3FFFFF80, s19  }
0x2c: {  	v2 =	vld.idx.msk [tilespmem:v0+s19+$0x0 ss:$0x1], $0xffff  }
0x2d: {  	v3 =	vld.idx.msk [tilespmem:v0+s19+$0x10 ss:$0x1], $0xffff  }
0x2e: {  	v4 =	vld.idx.msk [tilespmem:v0+s19+$0x20 ss:$0x1], $0xffff  }
0x2f: {  	s31 =	sshll.u32 s18, $0xD;
	v5 =	vld.idx.msk [tilespmem:v0+s19+$0x30 ss:$0x1], $0xffff  }
0x30: {  	s18 =	sand.u32 $0x3FFFE000, s31;
	v6 =	vld.idx.msk [tilespmem:v0+s19+$0x40 ss:$0x1], $0xffff  }
0x31: {  	v63 =	vld.idx.msk [tilespmem:v0+s19+$0x70 ss:$0x1], $0xffff;
	[tilespmem:v1+s18+$0x0 ss:$0x1] =	vst.idx.msk $0xffff, v2  }
0x32: {  	v2 =	vld.idx.msk [tilespmem:v0+s19+$0x50 ss:$0x1], $0xffff;
	[tilespmem:v1+s18+$0x10 ss:$0x1] =	vst.idx.msk $0xffff, v3  }
0x33: {  	p1 =	por p0, p0;
	v3 =	vld.idx.msk [tilespmem:v0+s19+$0x60 ss:$0x1], $0xffff;
	[tilespmem:v1+s18+$0x20 ss:$0x1] =	vst.idx.msk $0xffff, v4  }
.Ltmp3:
0x34: {  	[tilespmem:v1+s18+$0x30 ss:$0x1] =	vst.idx.msk $0xffff, v5;
	(pc) =	sbr.rel @p1 .LBB1_4-.Ltmp3, $4  }
0x35: {  	[tilespmem:v1+s18+$0x40 ss:$0x1] =	vst.idx.msk $0xffff, v6  }
0x36: {  	[tilespmem:v1+s18+$0x70 ss:$0x1] =	vst.idx.msk $0xffff, v63  }
0x37: {  	[tilespmem:v1+s18+$0x50 ss:$0x1] =	vst.idx.msk $0xffff, v2  }
0x38: {  	p0 =	por $0x0, $0x0;
	[tilespmem:v1+s18+$0x60 ss:$0x1] =	vst.idx.msk $0xffff, v3;
	s18 =	simm.s32 $0x1  }
0x39: {  	s17 =	sadd.s32 $0x1, s17  }
0x3a: {  	p0 =	sne.s32 s17, $0x40  }
.Ltmp4:
0x3b: {  	_ = 	snop;
	(pc) =	sbr.rel @p0 .LBB1_3-.Ltmp4, $1  }
0x3c: {  	_ =	sdelay $0x3  }
.Ltmp5:
0x3d: {  	s14 =	sshll.u32 s14, $0x4;
	(pc) =	sbr.rel .LBB1_7-.Ltmp5, $4  }
0x3e: {  	s14 =	sand.u32 $0x3FFF0, s14  }
0x3f: {  	s13 =	sshll.u32 s13, $0x12;
	s14 =	sadd.s32 s3, s14  }
0x40: {  	s13 =	sadd.s32 s13, s14  }
0x41: {  	[hbm4b:s13+s8] =	stream.strided.scatter [tilespmem:s15], [sflag:$0x2], $0x4000, s9, s8, $0x38;
	[tilespmem:$0x10000] =	vst v63  }
.LBB1_8:
0x42: {  	_ =	sfence.sel $0x180000  }
0x43: {  	s2 =	simm.s32 $0x1;
	[bflag:$0x0] =	sbarrier.arrive $0xFFFF  }
0x44: {  	s31 =	simm.s32 $0x2;
	[sflag:s2] =	ssyncpa.u1 $0x1  }
0x45: {  	[sflag:s31] =	ssyncpa.u1 $0x1  }
0x46: {  	p0 =	sne.s32 s0, $0x0;
	_ =	strace $0x9000004A  }
0x47: {  	s0 =	sadd.s32 @!p0 $0x100000, s1;
	[bflag:$0x2] =	sbarrier.arrive $0xFFFF  }
0x48: {  	[sflag:s0] =	ssyncadd.tile.s32 @!p0 $0x1;
	_ =	shalt  }
.Lfunc_end1:
_tile_overlayer_lowered:
.L_overlay_start_2:
0x49: {  	(tag) =	ssettag $0x2  }
0x4a: {  	s0 =	rddreg [dreg:$0x0];
	s2 =	stileid.u32  }
0x4b: {  	s1 =	rddreg [dreg:$0x1];
	p0 =	sne.s32 s2, $0x0  }
0x4c: {  	s3 =	rddreg [dreg:$0x2];
	[bflag:$0x3] =	sbarrier.arrive $0xFFFF;
	s2 =	simm.s32 @!p0 $0x1C01  }
0x4d: {  	[timem:s3], [sflag:s2] =	dma.local @!p0 [hbm:s0], s1  }
0x4e: {  	s0 =	simm.s32 @!p0 $0x1  }
0x4f: {  	_ =	swait.ge @!p0 [sflag:s0], s1  }
0x50: {  	s1 =	ssub.s32 @!p0 $0x0, s1;
	[sflag:s0] =	ssyncset.done @!p0 $0x0  }
0x51: {  	[sflag:s0] =	ssyncadd.s32 @!p0 s1  }
0x52: {  	[bflag:$0x3] =	sbarrier.arrive $0xFFFF  }
0x53: {  	_ =	shalt  }

</sc_bundles>
